<compile_context>
chip_gen: v7x
topology: tpu7x:2x2x1
jax: 0.10.2.dev20260603
libtpu: 0.0.44.dev20260713+nightly
codegen_flags: <defaults>
</compile_context>

<pallas_src>
import jax
import jax.numpy as jnp
from jax import lax
from jax.experimental import pallas as pl
from jax.experimental.pallas import tpu as pltpu
from jax.experimental.pallas import tpu_sc as plsc

_EMBED_DIM = 128
_BATCH = 16384
_NC = 2
_NS = 16
_NW = _NC * _NS
_B_PER_W = _BATCH // _NW
_CHUNK = 128
_NCHUNK = _B_PER_W // _CHUNK


def _gather_body(idx_hbm, table_hbm, out_hbm, idx_v, rows_v, tab_sh, gsem, ssem, tsem):
    sid = lax.axis_index("s")
    wid = sid * _NC + lax.axis_index("c")

    @pl.when(sid == 0)
    def _():
        pltpu.async_copy(table_hbm, tab_sh, tsem)

    pltpu.sync_copy(idx_hbm.at[wid], idx_v)

    @pl.when(sid == 0)
    def _():
        pltpu.make_async_copy(table_hbm, tab_sh, tsem).wait()

    plsc.subcore_barrier()
    gathers = [
        pltpu.async_copy(tab_sh.at[idx_v.at[j]], rows_v.at[j], gsem.at[j])
        for j in range(_NCHUNK)
    ]
    stores = []
    for j in range(_NCHUNK):
        gathers[j].wait()
        stores.append(pltpu.async_copy(rows_v.at[j], out_hbm.at[wid, j], ssem))
    for c in stores:
        c.wait()


def kernel(t, embeddings):
    idx = t.reshape(_NW, _NCHUNK, _CHUNK)
    mesh = plsc.VectorSubcoreMesh(core_axis_name="c", subcore_axis_name="s")
    run = pl.kernel(
        _gather_body,
        mesh=mesh,
        out_type=jax.ShapeDtypeStruct(
            (_NW, _NCHUNK, _CHUNK, _EMBED_DIM), jnp.float32
        ),
        scratch_types=[
            pltpu.VMEM((_NCHUNK, _CHUNK), jnp.int32),
            pltpu.VMEM((_NCHUNK, _CHUNK, _EMBED_DIM), jnp.float32),
            pltpu.VMEM_SHARED((1000, _EMBED_DIM), jnp.float32),
            pltpu.SemaphoreType.DMA((_NCHUNK,)),
            pltpu.SemaphoreType.DMA,
            pltpu.SemaphoreType.DMA,
        ],
    )
    out = run(idx, embeddings)
    return out.reshape(_BATCH, _EMBED_DIM, 1, 1)

# --- scband reference (transcript-rebuilt; emitter-appended) ---
"""Pipeline reference for scband-sinusoidal-embeddings-35845797052596 (READ-ONLY COPY).

The authoritative reference and input builder live on the scoring server;
editing this copy changes nothing except your own understanding.
"""

import jax, jax.numpy as jnp
import numpy as np
import math

TIME_STEPS = 1000
EMBED_DIM = 128
BATCH = 16384

def _build_table():
    position = np.arange(TIME_STEPS, dtype=np.float32)[:, None]
    div = np.exp(np.arange(0, EMBED_DIM, 2, dtype=np.float32) * -(math.log(10000.0) / EMBED_DIM))
    emb = np.zeros((TIME_STEPS, EMBED_DIM), dtype=np.float32)
    emb[:, 0::2] = np.sin(position * div)
    emb[:, 1::2] = np.cos(position * div)
    return jnp.asarray(emb)

def setup_inputs(seed: int = 0) -> dict:
    key = jax.random.key(seed)
    t = jax.random.randint(key, (BATCH,), 0, TIME_STEPS, dtype=jnp.int32)
    embeddings = _build_table()
    return {"t": t, "embeddings": embeddings}

def reference(t, embeddings):
    # embeddings[t] -> gather; then unsqueeze last two dims like [:, :, None, None]
    embeds = jnp.take(embeddings, t, axis=0)
    return embeds[:, :, None, None]

if __name__ == "__main__":
    import jax
    _d = setup_inputs()
    print(jax.jit(kernel)(*tuple(_d.values())))

</pallas_src>

<mosaic_0001>
#map = affine_map<(d0, d1) -> (0, 0, 0)>
#map1 = affine_map<(d0, d1) -> (0, 0)>
#map2 = affine_map<(d0, d1) -> (0, 0, 0, 0)>
module attributes {stable_mosaic.version = 14 : i64} {
  func.func @_gather_body(%arg0: i32, %arg1: i32, %arg2: memref<32x4x128xi32, #tpu.memory_space<hbm>>, %arg3: memref<1000x128xf32, #tpu.memory_space<hbm>>, %arg4: memref<32x4x128x128xf32, #tpu.memory_space<hbm>>, %arg5: memref<4x128xi32, #tpu.memory_space<vmem>>, %arg6: memref<4x128x128xf32, #tpu.memory_space<vmem>>, %arg7: memref<1000x128xf32, #tpu.memory_space<vmem_shared>>, %arg8: memref<4x!tpu.dma_semaphore, #tpu.memory_space<semaphore_mem>>, %arg9: memref<!tpu.dma_semaphore, #tpu.memory_space<semaphore_mem>>, %arg10: memref<!tpu.dma_semaphore, #tpu.memory_space<semaphore_mem>>) attributes {dimension_semantics = [#tpu.dimension_semantics<core_parallel>, #tpu.dimension_semantics<subcore_parallel>], iteration_bounds = array<i64: 2, 16>, scalar_prefetch = 0 : i64, scratch_operands = 6 : i64, tpu.core_type = #tpu.core_type<sc_vector_subcore>, window_params = [{transform_indices = #map}, {transform_indices = #map1}, {transform_indices = #map2}]} {
    %mul3A = arith.constant 2 : i32
    %mul3A_0 = arith.muli %arg1, %mul3A : i32
    %add3A = arith.addi %mul3A_0, %arg0 : i32
    %eq3A = arith.constant 0 : i32
    %eq3A_1 = arith.cmpi eq, %arg1, %eq3A : i32
    %convert_element_type3A = arith.extui %eq3A_1 : i1 to i32
    %cond3A = arith.constant 0 : i32
    %cond3A_2 = arith.cmpi ne, %convert_element_type3A, %cond3A : i32
    scf.if %cond3A_2 {
      tpu.enqueue_dma source(%arg3 : memref<1000x128xf32, #tpu.memory_space<hbm>>) target(%arg7 : memref<1000x128xf32, #tpu.memory_space<vmem_shared>>) target_semaphore(%arg10 : memref<!tpu.dma_semaphore, #tpu.memory_space<semaphore_mem>>)
    } else {
    }
    "tpu.region"() ({
      %run_scoped3A = tpu.sem_alloc : memref<!tpu.dma_semaphore, #tpu.memory_space<semaphore_mem>>
      %dma_start3A_270 = arith.constant 0 : i32
      %dma_start3A_271 = arith.constant 0 : i32
      %dma_start3A_272 = tpu.memref_slice %arg2[%add3A, %dma_start3A_270, %dma_start3A_271] : memref<32x4x128xi32, #tpu.memory_space<hbm>> -> memref<1x4x128xi32, #tpu.memory_space<hbm>>
      %dma_start3A_273 = tpu.memref_squeeze %dma_start3A_272 : memref<1x4x128xi32, #tpu.memory_space<hbm>> -> memref<4x128xi32, #tpu.memory_space<hbm>>
      %dma_start3A_274 = arith.constant 0 : i32
      %dma_start3A_275 = arith.constant 0 : i32
      %dma_start3A_276 = tpu.memref_slice %arg2[%add3A, %dma_start3A_274, %dma_start3A_275] : memref<32x4x128xi32, #tpu.memory_space<hbm>> -> memref<1x4x128xi32, #tpu.memory_space<hbm>>
      %dma_start3A_277 = tpu.memref_squeeze %dma_start3A_276 : memref<1x4x128xi32, #tpu.memory_space<hbm>> -> memref<4x128xi32, #tpu.memory_space<hbm>>
      tpu.enqueue_dma source(%dma_start3A_277 : memref<4x128xi32, #tpu.memory_space<hbm>>) target(%arg5 : memref<4x128xi32, #tpu.memory_space<vmem>>) target_semaphore(%run_scoped3A : memref<!tpu.dma_semaphore, #tpu.memory_space<semaphore_mem>>)
      %dma_wait3A_278 = arith.constant 0 : i32
      %dma_wait3A_279 = arith.constant 0 : i32
      %dma_wait3A_280 = tpu.memref_slice %arg2[%add3A, %dma_wait3A_278, %dma_wait3A_279] : memref<32x4x128xi32, #tpu.memory_space<hbm>> -> memref<1x4x128xi32, #tpu.memory_space<hbm>>
      %dma_wait3A_281 = tpu.memref_squeeze %dma_wait3A_280 : memref<1x4x128xi32, #tpu.memory_space<hbm>> -> memref<4x128xi32, #tpu.memory_space<hbm>>
      %dma_wait3A_282 = arith.constant 0 : i32
      %dma_wait3A_283 = arith.constant 0 : i32
      %dma_wait3A_284 = tpu.memref_slice %arg2[%add3A, %dma_wait3A_282, %dma_wait3A_283] : memref<32x4x128xi32, #tpu.memory_space<hbm>> -> memref<1x4x128xi32, #tpu.memory_space<hbm>>
      %dma_wait3A_285 = tpu.memref_squeeze %dma_wait3A_284 : memref<1x4x128xi32, #tpu.memory_space<hbm>> -> memref<4x128xi32, #tpu.memory_space<hbm>>
      tpu.wait_dma2 semaphore(%run_scoped3A : memref<!tpu.dma_semaphore, #tpu.memory_space<semaphore_mem>>) src(%dma_wait3A_285 : memref<4x128xi32, #tpu.memory_space<hbm>>) dst(%arg5 : memref<4x128xi32, #tpu.memory_space<vmem>>)
      tpu.yield
    }) : () -> ()
    %eq3A_3 = arith.constant 0 : i32
    %eq3A_4 = arith.cmpi eq, %arg1, %eq3A_3 : i32
    %convert_element_type3A_5 = arith.extui %eq3A_4 : i1 to i32
    %cond3A_6 = arith.constant 0 : i32
    %cond3A_7 = arith.cmpi ne, %convert_element_type3A_5, %cond3A_6 : i32
    scf.if %cond3A_7 {
      tpu.wait_dma2 semaphore(%arg10 : memref<!tpu.dma_semaphore, #tpu.memory_space<semaphore_mem>>) src(%arg3 : memref<1000x128xf32, #tpu.memory_space<hbm>>) dst(%arg7 : memref<1000x128xf32, #tpu.memory_space<vmem_shared>>)
    } else {
    }
    %barrier3A = arith.constant 0 : index
    tpu.barrier barrier_id(%barrier3A)
    %dma_start3A = arith.constant 0 : i32
    %dma_start3A_8 = arith.constant 0 : i32
    %dma_start3A_9 = arith.constant 0 : i32
    %dma_start3A_10 = arith.constant 0 : i32
    %dma_start3A_11 = arith.constant 0 : i32
    %dma_start3A_12 = tpu.memref_slice %arg6[%dma_start3A_8, %dma_start3A_10, %dma_start3A_11] : memref<4x128x128xf32, #tpu.memory_space<vmem>> -> memref<1x128x128xf32, #tpu.memory_space<vmem>>
    %dma_start3A_13 = tpu.memref_squeeze %dma_start3A_12 : memref<1x128x128xf32, #tpu.memory_space<vmem>> -> memref<128x128xf32, #tpu.memory_space<vmem>>
    %dma_start3A_14 = arith.constant 0 : i32
    %dma_start3A_15 = tpu.memref_slice %arg5[%dma_start3A, %dma_start3A_14] : memref<4x128xi32, #tpu.memory_space<vmem>> -> memref<1x128xi32, #tpu.memory_space<vmem>>
    %dma_start3A_16 = tpu.memref_squeeze %dma_start3A_15 : memref<1x128xi32, #tpu.memory_space<vmem>> -> memref<128xi32, #tpu.memory_space<vmem>>
    %dma_start3A_17 = arith.constant 0 : i32
    %dma_start3A_18 = arith.constant 0 : i32
    %dma_start3A_19 = tpu.memref_slice %arg7[%dma_start3A_17, %dma_start3A_18] : memref<1000x128xf32, #tpu.memory_space<vmem_shared>> -> memref<1000x128xf32, #tpu.memory_space<vmem_shared>>
    %dma_start3A_20 = tpu.memref_slice %arg8[%dma_start3A_9] : memref<4x!tpu.dma_semaphore, #tpu.memory_space<semaphore_mem>> -> memref<1x!tpu.dma_semaphore, #tpu.memory_space<semaphore_mem>>
    %dma_start3A_21 = tpu.memref_squeeze %dma_start3A_20 : memref<1x!tpu.dma_semaphore, #tpu.memory_space<semaphore_mem>> -> memref<!tpu.dma_semaphore, #tpu.memory_space<semaphore_mem>>
    tpu.enqueue_indirect_dma source(%dma_start3A_19 : memref<1000x128xf32, #tpu.memory_space<vmem_shared>>) target(%dma_start3A_13 : memref<128x128xf32, #tpu.memory_space<vmem>>) offsets(%dma_start3A_16 : memref<128xi32, #tpu.memory_space<vmem>>) semaphore(%dma_start3A_21 : memref<!tpu.dma_semaphore, #tpu.memory_space<semaphore_mem>>)
    %dma_start3A_22 = arith.constant 1 : i32
    %dma_start3A_23 = arith.constant 1 : i32
    %dma_start3A_24 = arith.constant 1 : i32
    %dma_start3A_25 = arith.constant 0 : i32
    %dma_start3A_26 = arith.constant 0 : i32
    %dma_start3A_27 = tpu.memref_slice %arg6[%dma_start3A_23, %dma_start3A_25, %dma_start3A_26] : memref<4x128x128xf32, #tpu.memory_space<vmem>> -> memref<1x128x128xf32, #tpu.memory_space<vmem>>
    %dma_start3A_28 = tpu.memref_squeeze %dma_start3A_27 : memref<1x128x128xf32, #tpu.memory_space<vmem>> -> memref<128x128xf32, #tpu.memory_space<vmem>>
    %dma_start3A_29 = arith.constant 0 : i32
    %dma_start3A_30 = tpu.memref_slice %arg5[%dma_start3A_22, %dma_start3A_29] : memref<4x128xi32, #tpu.memory_space<vmem>> -> memref<1x128xi32, #tpu.memory_space<vmem>>
    %dma_start3A_31 = tpu.memref_squeeze %dma_start3A_30 : memref<1x128xi32, #tpu.memory_space<vmem>> -> memref<128xi32, #tpu.memory_space<vmem>>
    %dma_start3A_32 = arith.constant 0 : i32
    %dma_start3A_33 = arith.constant 0 : i32
    %dma_start3A_34 = tpu.memref_slice %arg7[%dma_start3A_32, %dma_start3A_33] : memref<1000x128xf32, #tpu.memory_space<vmem_shared>> -> memref<1000x128xf32, #tpu.memory_space<vmem_shared>>
    %dma_start3A_35 = tpu.memref_slice %arg8[%dma_start3A_24] : memref<4x!tpu.dma_semaphore, #tpu.memory_space<semaphore_mem>> -> memref<1x!tpu.dma_semaphore, #tpu.memory_space<semaphore_mem>>
    %dma_start3A_36 = tpu.memref_squeeze %dma_start3A_35 : memref<1x!tpu.dma_semaphore, #tpu.memory_space<semaphore_mem>> -> memref<!tpu.dma_semaphore, #tpu.memory_space<semaphore_mem>>
    tpu.enqueue_indirect_dma source(%dma_start3A_34 : memref<1000x128xf32, #tpu.memory_space<vmem_shared>>) target(%dma_start3A_28 : memref<128x128xf32, #tpu.memory_space<vmem>>) offsets(%dma_start3A_31 : memref<128xi32, #tpu.memory_space<vmem>>) semaphore(%dma_start3A_36 : memref<!tpu.dma_semaphore, #tpu.memory_space<semaphore_mem>>)
    %dma_start3A_37 = arith.constant 2 : i32
    %dma_start3A_38 = arith.constant 2 : i32
    %dma_start3A_39 = arith.constant 2 : i32
    %dma_start3A_40 = arith.constant 0 : i32
    %dma_start3A_41 = arith.constant 0 : i32
    %dma_start3A_42 = tpu.memref_slice %arg6[%dma_start3A_38, %dma_start3A_40, %dma_start3A_41] : memref<4x128x128xf32, #tpu.memory_space<vmem>> -> memref<1x128x128xf32, #tpu.memory_space<vmem>>
    %dma_start3A_43 = tpu.memref_squeeze %dma_start3A_42 : memref<1x128x128xf32, #tpu.memory_space<vmem>> -> memref<128x128xf32, #tpu.memory_space<vmem>>
    %dma_start3A_44 = arith.constant 0 : i32
    %dma_start3A_45 = tpu.memref_slice %arg5[%dma_start3A_37, %dma_start3A_44] : memref<4x128xi32, #tpu.memory_space<vmem>> -> memref<1x128xi32, #tpu.memory_space<vmem>>
    %dma_start3A_46 = tpu.memref_squeeze %dma_start3A_45 : memref<1x128xi32, #tpu.memory_space<vmem>> -> memref<128xi32, #tpu.memory_space<vmem>>
    %dma_start3A_47 = arith.constant 0 : i32
    %dma_start3A_48 = arith.constant 0 : i32
    %dma_start3A_49 = tpu.memref_slice %arg7[%dma_start3A_47, %dma_start3A_48] : memref<1000x128xf32, #tpu.memory_space<vmem_shared>> -> memref<1000x128xf32, #tpu.memory_space<vmem_shared>>
    %dma_start3A_50 = tpu.memref_slice %arg8[%dma_start3A_39] : memref<4x!tpu.dma_semaphore, #tpu.memory_space<semaphore_mem>> -> memref<1x!tpu.dma_semaphore, #tpu.memory_space<semaphore_mem>>
    %dma_start3A_51 = tpu.memref_squeeze %dma_start3A_50 : memref<1x!tpu.dma_semaphore, #tpu.memory_space<semaphore_mem>> -> memref<!tpu.dma_semaphore, #tpu.memory_space<semaphore_mem>>
    tpu.enqueue_indirect_dma source(%dma_start3A_49 : memref<1000x128xf32, #tpu.memory_space<vmem_shared>>) target(%dma_start3A_43 : memref<128x128xf32, #tpu.memory_space<vmem>>) offsets(%dma_start3A_46 : memref<128xi32, #tpu.memory_space<vmem>>) semaphore(%dma_start3A_51 : memref<!tpu.dma_semaphore, #tpu.memory_space<semaphore_mem>>)
    %dma_start3A_52 = arith.constant 3 : i32
    %dma_start3A_53 = arith.constant 3 : i32
    %dma_start3A_54 = arith.constant 3 : i32
    %dma_start3A_55 = arith.constant 0 : i32
    %dma_start3A_56 = arith.constant 0 : i32
    %dma_start3A_57 = tpu.memref_slice %arg6[%dma_start3A_53, %dma_start3A_55, %dma_start3A_56] : memref<4x128x128xf32, #tpu.memory_space<vmem>> -> memref<1x128x128xf32, #tpu.memory_space<vmem>>
    %dma_start3A_58 = tpu.memref_squeeze %dma_start3A_57 : memref<1x128x128xf32, #tpu.memory_space<vmem>> -> memref<128x128xf32, #tpu.memory_space<vmem>>
    %dma_start3A_59 = arith.constant 0 : i32
    %dma_start3A_60 = tpu.memref_slice %arg5[%dma_start3A_52, %dma_start3A_59] : memref<4x128xi32, #tpu.memory_space<vmem>> -> memref<1x128xi32, #tpu.memory_space<vmem>>
    %dma_start3A_61 = tpu.memref_squeeze %dma_start3A_60 : memref<1x128xi32, #tpu.memory_space<vmem>> -> memref<128xi32, #tpu.memory_space<vmem>>
    %dma_start3A_62 = arith.constant 0 : i32
    %dma_start3A_63 = arith.constant 0 : i32
    %dma_start3A_64 = tpu.memref_slice %arg7[%dma_start3A_62, %dma_start3A_63] : memref<1000x128xf32, #tpu.memory_space<vmem_shared>> -> memref<1000x128xf32, #tpu.memory_space<vmem_shared>>
    %dma_start3A_65 = tpu.memref_slice %arg8[%dma_start3A_54] : memref<4x!tpu.dma_semaphore, #tpu.memory_space<semaphore_mem>> -> memref<1x!tpu.dma_semaphore, #tpu.memory_space<semaphore_mem>>
    %dma_start3A_66 = tpu.memref_squeeze %dma_start3A_65 : memref<1x!tpu.dma_semaphore, #tpu.memory_space<semaphore_mem>> -> memref<!tpu.dma_semaphore, #tpu.memory_space<semaphore_mem>>
    tpu.enqueue_indirect_dma source(%dma_start3A_64 : memref<1000x128xf32, #tpu.memory_space<vmem_shared>>) target(%dma_start3A_58 : memref<128x128xf32, #tpu.memory_space<vmem>>) offsets(%dma_start3A_61 : memref<128xi32, #tpu.memory_space<vmem>>) semaphore(%dma_start3A_66 : memref<!tpu.dma_semaphore, #tpu.memory_space<semaphore_mem>>)
    %dma_wait3A = arith.constant 0 : i32
    %dma_wait3A_67 = arith.constant 0 : i32
    %dma_wait3A_68 = arith.constant 0 : i32
    %dma_wait3A_69 = arith.constant 0 : i32
    %dma_wait3A_70 = arith.constant 0 : i32
    %dma_wait3A_71 = tpu.memref_slice %arg6[%dma_wait3A_67, %dma_wait3A_69, %dma_wait3A_70] : memref<4x128x128xf32, #tpu.memory_space<vmem>> -> memref<1x128x128xf32, #tpu.memory_space<vmem>>
    %dma_wait3A_72 = tpu.memref_squeeze %dma_wait3A_71 : memref<1x128x128xf32, #tpu.memory_space<vmem>> -> memref<128x128xf32, #tpu.memory_space<vmem>>
    %dma_wait3A_73 = arith.constant 0 : i32
    %dma_wait3A_74 = tpu.memref_slice %arg5[%dma_wait3A, %dma_wait3A_73] : memref<4x128xi32, #tpu.memory_space<vmem>> -> memref<1x128xi32, #tpu.memory_space<vmem>>
    %dma_wait3A_75 = tpu.memref_squeeze %dma_wait3A_74 : memref<1x128xi32, #tpu.memory_space<vmem>> -> memref<128xi32, #tpu.memory_space<vmem>>
    %dma_wait3A_76 = arith.constant 0 : i32
    %dma_wait3A_77 = arith.constant 0 : i32
    %dma_wait3A_78 = tpu.memref_slice %arg7[%dma_wait3A_76, %dma_wait3A_77] : memref<1000x128xf32, #tpu.memory_space<vmem_shared>> -> memref<1000x128xf32, #tpu.memory_space<vmem_shared>>
    %dma_wait3A_79 = tpu.memref_slice %arg8[%dma_wait3A_68] : memref<4x!tpu.dma_semaphore, #tpu.memory_space<semaphore_mem>> -> memref<1x!tpu.dma_semaphore, #tpu.memory_space<semaphore_mem>>
    %dma_wait3A_80 = tpu.memref_squeeze %dma_wait3A_79 : memref<1x!tpu.dma_semaphore, #tpu.memory_space<semaphore_mem>> -> memref<!tpu.dma_semaphore, #tpu.memory_space<semaphore_mem>>
    tpu.wait_indirect_dma semaphore(%dma_wait3A_80 : memref<!tpu.dma_semaphore, #tpu.memory_space<semaphore_mem>>) src(%dma_wait3A_78 : memref<1000x128xf32, #tpu.memory_space<vmem_shared>>) dst(%dma_wait3A_72 : memref<128x128xf32, #tpu.memory_space<vmem>>)
    %dma_start3A_81 = arith.constant 0 : i32
    %dma_start3A_82 = arith.constant 0 : i32
    %dma_start3A_83 = arith.constant 0 : i32
    %dma_start3A_84 = arith.constant 0 : i32
    %dma_start3A_85 = tpu.memref_slice %arg6[%dma_start3A_81, %dma_start3A_83, %dma_start3A_84] : memref<4x128x128xf32, #tpu.memory_space<vmem>> -> memref<1x128x128xf32, #tpu.memory_space<vmem>>
    %dma_start3A_86 = tpu.memref_squeeze %dma_start3A_85 : memref<1x128x128xf32, #tpu.memory_space<vmem>> -> memref<128x128xf32, #tpu.memory_space<vmem>>
    %dma_start3A_87 = arith.constant 0 : i32
    %dma_start3A_88 = arith.constant 0 : i32
    %dma_start3A_89 = tpu.memref_slice %arg4[%add3A, %dma_start3A_82, %dma_start3A_87, %dma_start3A_88] : memref<32x4x128x128xf32, #tpu.memory_space<hbm>> -> memref<1x1x128x128xf32, #tpu.memory_space<hbm>>
    %dma_start3A_90 = tpu.memref_squeeze %dma_start3A_89 : memref<1x1x128x128xf32, #tpu.memory_space<hbm>> -> memref<128x128xf32, #tpu.memory_space<hbm>>
    %dma_start3A_91 = arith.constant 0 : i32
    %dma_start3A_92 = arith.constant 0 : i32
    %dma_start3A_93 = tpu.memref_slice %arg4[%add3A, %dma_start3A_82, %dma_start3A_91, %dma_start3A_92] : memref<32x4x128x128xf32, #tpu.memory_space<hbm>> -> memref<1x1x128x128xf32, #tpu.memory_space<hbm>>
    %dma_start3A_94 = tpu.memref_squeeze %dma_start3A_93 : memref<1x1x128x128xf32, #tpu.memory_space<hbm>> -> memref<128x128xf32, #tpu.memory_space<hbm>>
    %dma_start3A_95 = arith.constant 0 : i32
    %dma_start3A_96 = arith.constant 0 : i32
    %dma_start3A_97 = tpu.memref_slice %arg6[%dma_start3A_81, %dma_start3A_95, %dma_start3A_96] : memref<4x128x128xf32, #tpu.memory_space<vmem>> -> memref<1x128x128xf32, #tpu.memory_space<vmem>>
    %dma_start3A_98 = tpu.memref_squeeze %dma_start3A_97 : memref<1x128x128xf32, #tpu.memory_space<vmem>> -> memref<128x128xf32, #tpu.memory_space<vmem>>
    tpu.enqueue_dma source(%dma_start3A_98 : memref<128x128xf32, #tpu.memory_space<vmem>>) target(%dma_start3A_94 : memref<128x128xf32, #tpu.memory_space<hbm>>) target_semaphore(%arg9 : memref<!tpu.dma_semaphore, #tpu.memory_space<semaphore_mem>>)
    %dma_wait3A_99 = arith.constant 1 : i32
    %dma_wait3A_100 = arith.constant 1 : i32
    %dma_wait3A_101 = arith.constant 1 : i32
    %dma_wait3A_102 = arith.constant 0 : i32
    %dma_wait3A_103 = arith.constant 0 : i32
    %dma_wait3A_104 = tpu.memref_slice %arg6[%dma_wait3A_100, %dma_wait3A_102, %dma_wait3A_103] : memref<4x128x128xf32, #tpu.memory_space<vmem>> -> memref<1x128x128xf32, #tpu.memory_space<vmem>>
    %dma_wait3A_105 = tpu.memref_squeeze %dma_wait3A_104 : memref<1x128x128xf32, #tpu.memory_space<vmem>> -> memref<128x128xf32, #tpu.memory_space<vmem>>
    %dma_wait3A_106 = arith.constant 0 : i32
    %dma_wait3A_107 = tpu.memref_slice %arg5[%dma_wait3A_99, %dma_wait3A_106] : memref<4x128xi32, #tpu.memory_space<vmem>> -> memref<1x128xi32, #tpu.memory_space<vmem>>
    %dma_wait3A_108 = tpu.memref_squeeze %dma_wait3A_107 : memref<1x128xi32, #tpu.memory_space<vmem>> -> memref<128xi32, #tpu.memory_space<vmem>>
    %dma_wait3A_109 = arith.constant 0 : i32
    %dma_wait3A_110 = arith.constant 0 : i32
    %dma_wait3A_111 = tpu.memref_slice %arg7[%dma_wait3A_109, %dma_wait3A_110] : memref<1000x128xf32, #tpu.memory_space<vmem_shared>> -> memref<1000x128xf32, #tpu.memory_space<vmem_shared>>
    %dma_wait3A_112 = tpu.memref_slice %arg8[%dma_wait3A_101] : memref<4x!tpu.dma_semaphore, #tpu.memory_space<semaphore_mem>> -> memref<1x!tpu.dma_semaphore, #tpu.memory_space<semaphore_mem>>
    %dma_wait3A_113 = tpu.memref_squeeze %dma_wait3A_112 : memref<1x!tpu.dma_semaphore, #tpu.memory_space<semaphore_mem>> -> memref<!tpu.dma_semaphore, #tpu.memory_space<semaphore_mem>>
    tpu.wait_indirect_dma semaphore(%dma_wait3A_113 : memref<!tpu.dma_semaphore, #tpu.memory_space<semaphore_mem>>) src(%dma_wait3A_111 : memref<1000x128xf32, #tpu.memory_space<vmem_shared>>) dst(%dma_wait3A_105 : memref<128x128xf32, #tpu.memory_space<vmem>>)
    %dma_start3A_114 = arith.constant 1 : i32
    %dma_start3A_115 = arith.constant 1 : i32
    %dma_start3A_116 = arith.constant 0 : i32
    %dma_start3A_117 = arith.constant 0 : i32
    %dma_start3A_118 = tpu.memref_slice %arg6[%dma_start3A_114, %dma_start3A_116, %dma_start3A_117] : memref<4x128x128xf32, #tpu.memory_space<vmem>> -> memref<1x128x128xf32, #tpu.memory_space<vmem>>
    %dma_start3A_119 = tpu.memref_squeeze %dma_start3A_118 : memref<1x128x128xf32, #tpu.memory_space<vmem>> -> memref<128x128xf32, #tpu.memory_space<vmem>>
    %dma_start3A_120 = arith.constant 0 : i32
    %dma_start3A_121 = arith.constant 0 : i32
    %dma_start3A_122 = tpu.memref_slice %arg4[%add3A, %dma_start3A_115, %dma_start3A_120, %dma_start3A_121] : memref<32x4x128x128xf32, #tpu.memory_space<hbm>> -> memref<1x1x128x128xf32, #tpu.memory_space<hbm>>
    %dma_start3A_123 = tpu.memref_squeeze %dma_start3A_122 : memref<1x1x128x128xf32, #tpu.memory_space<hbm>> -> memref<128x128xf32, #tpu.memory_space<hbm>>
    %dma_start3A_124 = arith.constant 0 : i32
    %dma_start3A_125 = arith.constant 0 : i32
    %dma_start3A_126 = tpu.memref_slice %arg4[%add3A, %dma_start3A_115, %dma_start3A_124, %dma_start3A_125] : memref<32x4x128x128xf32, #tpu.memory_space<hbm>> -> memref<1x1x128x128xf32, #tpu.memory_space<hbm>>
    %dma_start3A_127 = tpu.memref_squeeze %dma_start3A_126 : memref<1x1x128x128xf32, #tpu.memory_space<hbm>> -> memref<128x128xf32, #tpu.memory_space<hbm>>
    %dma_start3A_128 = arith.constant 0 : i32
    %dma_start3A_129 = arith.constant 0 : i32
    %dma_start3A_130 = tpu.memref_slice %arg6[%dma_start3A_114, %dma_start3A_128, %dma_start3A_129] : memref<4x128x128xf32, #tpu.memory_space<vmem>> -> memref<1x128x128xf32, #tpu.memory_space<vmem>>
    %dma_start3A_131 = tpu.memref_squeeze %dma_start3A_130 : memref<1x128x128xf32, #tpu.memory_space<vmem>> -> memref<128x128xf32, #tpu.memory_space<vmem>>
    tpu.enqueue_dma source(%dma_start3A_131 : memref<128x128xf32, #tpu.memory_space<vmem>>) target(%dma_start3A_127 : memref<128x128xf32, #tpu.memory_space<hbm>>) target_semaphore(%arg9 : memref<!tpu.dma_semaphore, #tpu.memory_space<semaphore_mem>>)
    %dma_wait3A_132 = arith.constant 2 : i32
    %dma_wait3A_133 = arith.constant 2 : i32
    %dma_wait3A_134 = arith.constant 2 : i32
    %dma_wait3A_135 = arith.constant 0 : i32
    %dma_wait3A_136 = arith.constant 0 : i32
    %dma_wait3A_137 = tpu.memref_slice %arg6[%dma_wait3A_133, %dma_wait3A_135, %dma_wait3A_136] : memref<4x128x128xf32, #tpu.memory_space<vmem>> -> memref<1x128x128xf32, #tpu.memory_space<vmem>>
    %dma_wait3A_138 = tpu.memref_squeeze %dma_wait3A_137 : memref<1x128x128xf32, #tpu.memory_space<vmem>> -> memref<128x128xf32, #tpu.memory_space<vmem>>
    %dma_wait3A_139 = arith.constant 0 : i32
    %dma_wait3A_140 = tpu.memref_slice %arg5[%dma_wait3A_132, %dma_wait3A_139] : memref<4x128xi32, #tpu.memory_space<vmem>> -> memref<1x128xi32, #tpu.memory_space<vmem>>
    %dma_wait3A_141 = tpu.memref_squeeze %dma_wait3A_140 : memref<1x128xi32, #tpu.memory_space<vmem>> -> memref<128xi32, #tpu.memory_space<vmem>>
    %dma_wait3A_142 = arith.constant 0 : i32
    %dma_wait3A_143 = arith.constant 0 : i32
    %dma_wait3A_144 = tpu.memref_slice %arg7[%dma_wait3A_142, %dma_wait3A_143] : memref<1000x128xf32, #tpu.memory_space<vmem_shared>> -> memref<1000x128xf32, #tpu.memory_space<vmem_shared>>
    %dma_wait3A_145 = tpu.memref_slice %arg8[%dma_wait3A_134] : memref<4x!tpu.dma_semaphore, #tpu.memory_space<semaphore_mem>> -> memref<1x!tpu.dma_semaphore, #tpu.memory_space<semaphore_mem>>
    %dma_wait3A_146 = tpu.memref_squeeze %dma_wait3A_145 : memref<1x!tpu.dma_semaphore, #tpu.memory_space<semaphore_mem>> -> memref<!tpu.dma_semaphore, #tpu.memory_space<semaphore_mem>>
    tpu.wait_indirect_dma semaphore(%dma_wait3A_146 : memref<!tpu.dma_semaphore, #tpu.memory_space<semaphore_mem>>) src(%dma_wait3A_144 : memref<1000x128xf32, #tpu.memory_space<vmem_shared>>) dst(%dma_wait3A_138 : memref<128x128xf32, #tpu.memory_space<vmem>>)
    %dma_start3A_147 = arith.constant 2 : i32
    %dma_start3A_148 = arith.constant 2 : i32
    %dma_start3A_149 = arith.constant 0 : i32
    %dma_start3A_150 = arith.constant 0 : i32
    %dma_start3A_151 = tpu.memref_slice %arg6[%dma_start3A_147, %dma_start3A_149, %dma_start3A_150] : memref<4x128x128xf32, #tpu.memory_space<vmem>> -> memref<1x128x128xf32, #tpu.memory_space<vmem>>
    %dma_start3A_152 = tpu.memref_squeeze %dma_start3A_151 : memref<1x128x128xf32, #tpu.memory_space<vmem>> -> memref<128x128xf32, #tpu.memory_space<vmem>>
    %dma_start3A_153 = arith.constant 0 : i32
    %dma_start3A_154 = arith.constant 0 : i32
    %dma_start3A_155 = tpu.memref_slice %arg4[%add3A, %dma_start3A_148, %dma_start3A_153, %dma_start3A_154] : memref<32x4x128x128xf32, #tpu.memory_space<hbm>> -> memref<1x1x128x128xf32, #tpu.memory_space<hbm>>
    %dma_start3A_156 = tpu.memref_squeeze %dma_start3A_155 : memref<1x1x128x128xf32, #tpu.memory_space<hbm>> -> memref<128x128xf32, #tpu.memory_space<hbm>>
    %dma_start3A_157 = arith.constant 0 : i32
    %dma_start3A_158 = arith.constant 0 : i32
    %dma_start3A_159 = tpu.memref_slice %arg4[%add3A, %dma_start3A_148, %dma_start3A_157, %dma_start3A_158] : memref<32x4x128x128xf32, #tpu.memory_space<hbm>> -> memref<1x1x128x128xf32, #tpu.memory_space<hbm>>
    %dma_start3A_160 = tpu.memref_squeeze %dma_start3A_159 : memref<1x1x128x128xf32, #tpu.memory_space<hbm>> -> memref<128x128xf32, #tpu.memory_space<hbm>>
    %dma_start3A_161 = arith.constant 0 : i32
    %dma_start3A_162 = arith.constant 0 : i32
    %dma_start3A_163 = tpu.memref_slice %arg6[%dma_start3A_147, %dma_start3A_161, %dma_start3A_162] : memref<4x128x128xf32, #tpu.memory_space<vmem>> -> memref<1x128x128xf32, #tpu.memory_space<vmem>>
    %dma_start3A_164 = tpu.memref_squeeze %dma_start3A_163 : memref<1x128x128xf32, #tpu.memory_space<vmem>> -> memref<128x128xf32, #tpu.memory_space<vmem>>
    tpu.enqueue_dma source(%dma_start3A_164 : memref<128x128xf32, #tpu.memory_space<vmem>>) target(%dma_start3A_160 : memref<128x128xf32, #tpu.memory_space<hbm>>) target_semaphore(%arg9 : memref<!tpu.dma_semaphore, #tpu.memory_space<semaphore_mem>>)
    %dma_wait3A_165 = arith.constant 3 : i32
    %dma_wait3A_166 = arith.constant 3 : i32
    %dma_wait3A_167 = arith.constant 3 : i32
    %dma_wait3A_168 = arith.constant 0 : i32
    %dma_wait3A_169 = arith.constant 0 : i32
    %dma_wait3A_170 = tpu.memref_slice %arg6[%dma_wait3A_166, %dma_wait3A_168, %dma_wait3A_169] : memref<4x128x128xf32, #tpu.memory_space<vmem>> -> memref<1x128x128xf32, #tpu.memory_space<vmem>>
    %dma_wait3A_171 = tpu.memref_squeeze %dma_wait3A_170 : memref<1x128x128xf32, #tpu.memory_space<vmem>> -> memref<128x128xf32, #tpu.memory_space<vmem>>
    %dma_wait3A_172 = arith.constant 0 : i32
    %dma_wait3A_173 = tpu.memref_slice %arg5[%dma_wait3A_165, %dma_wait3A_172] : memref<4x128xi32, #tpu.memory_space<vmem>> -> memref<1x128xi32, #tpu.memory_space<vmem>>
    %dma_wait3A_174 = tpu.memref_squeeze %dma_wait3A_173 : memref<1x128xi32, #tpu.memory_space<vmem>> -> memref<128xi32, #tpu.memory_space<vmem>>
    %dma_wait3A_175 = arith.constant 0 : i32
    %dma_wait3A_176 = arith.constant 0 : i32
    %dma_wait3A_177 = tpu.memref_slice %arg7[%dma_wait3A_175, %dma_wait3A_176] : memref<1000x128xf32, #tpu.memory_space<vmem_shared>> -> memref<1000x128xf32, #tpu.memory_space<vmem_shared>>
    %dma_wait3A_178 = tpu.memref_slice %arg8[%dma_wait3A_167] : memref<4x!tpu.dma_semaphore, #tpu.memory_space<semaphore_mem>> -> memref<1x!tpu.dma_semaphore, #tpu.memory_space<semaphore_mem>>
    %dma_wait3A_179 = tpu.memref_squeeze %dma_wait3A_178 : memref<1x!tpu.dma_semaphore, #tpu.memory_space<semaphore_mem>> -> memref<!tpu.dma_semaphore, #tpu.memory_space<semaphore_mem>>
    tpu.wait_indirect_dma semaphore(%dma_wait3A_179 : memref<!tpu.dma_semaphore, #tpu.memory_space<semaphore_mem>>) src(%dma_wait3A_177 : memref<1000x128xf32, #tpu.memory_space<vmem_shared>>) dst(%dma_wait3A_171 : memref<128x128xf32, #tpu.memory_space<vmem>>)
    %dma_start3A_180 = arith.constant 3 : i32
    %dma_start3A_181 = arith.constant 3 : i32
    %dma_start3A_182 = arith.constant 0 : i32
    %dma_start3A_183 = arith.constant 0 : i32
    %dma_start3A_184 = tpu.memref_slice %arg6[%dma_start3A_180, %dma_start3A_182, %dma_start3A_183] : memref<4x128x128xf32, #tpu.memory_space<vmem>> -> memref<1x128x128xf32, #tpu.memory_space<vmem>>
    %dma_start3A_185 = tpu.memref_squeeze %dma_start3A_184 : memref<1x128x128xf32, #tpu.memory_space<vmem>> -> memref<128x128xf32, #tpu.memory_space<vmem>>
    %dma_start3A_186 = arith.constant 0 : i32
    %dma_start3A_187 = arith.constant 0 : i32
    %dma_start3A_188 = tpu.memref_slice %arg4[%add3A, %dma_start3A_181, %dma_start3A_186, %dma_start3A_187] : memref<32x4x128x128xf32, #tpu.memory_space<hbm>> -> memref<1x1x128x128xf32, #tpu.memory_space<hbm>>
    %dma_start3A_189 = tpu.memref_squeeze %dma_start3A_188 : memref<1x1x128x128xf32, #tpu.memory_space<hbm>> -> memref<128x128xf32, #tpu.memory_space<hbm>>
    %dma_start3A_190 = arith.constant 0 : i32
    %dma_start3A_191 = arith.constant 0 : i32
    %dma_start3A_192 = tpu.memref_slice %arg4[%add3A, %dma_start3A_181, %dma_start3A_190, %dma_start3A_191] : memref<32x4x128x128xf32, #tpu.memory_space<hbm>> -> memref<1x1x128x128xf32, #tpu.memory_space<hbm>>
    %dma_start3A_193 = tpu.memref_squeeze %dma_start3A_192 : memref<1x1x128x128xf32, #tpu.memory_space<hbm>> -> memref<128x128xf32, #tpu.memory_space<hbm>>
    %dma_start3A_194 = arith.constant 0 : i32
    %dma_start3A_195 = arith.constant 0 : i32
    %dma_start3A_196 = tpu.memref_slice %arg6[%dma_start3A_180, %dma_start3A_194, %dma_start3A_195] : memref<4x128x128xf32, #tpu.memory_space<vmem>> -> memref<1x128x128xf32, #tpu.memory_space<vmem>>
    %dma_start3A_197 = tpu.memref_squeeze %dma_start3A_196 : memref<1x128x128xf32, #tpu.memory_space<vmem>> -> memref<128x128xf32, #tpu.memory_space<vmem>>
    tpu.enqueue_dma source(%dma_start3A_197 : memref<128x128xf32, #tpu.memory_space<vmem>>) target(%dma_start3A_193 : memref<128x128xf32, #tpu.memory_space<hbm>>) target_semaphore(%arg9 : memref<!tpu.dma_semaphore, #tpu.memory_space<semaphore_mem>>)
    %dma_wait3A_198 = arith.constant 0 : i32
    %dma_wait3A_199 = arith.constant 0 : i32
    %dma_wait3A_200 = arith.constant 0 : i32
    %dma_wait3A_201 = arith.constant 0 : i32
    %dma_wait3A_202 = tpu.memref_slice %arg6[%dma_wait3A_198, %dma_wait3A_200, %dma_wait3A_201] : memref<4x128x128xf32, #tpu.memory_space<vmem>> -> memref<1x128x128xf32, #tpu.memory_space<vmem>>
    %dma_wait3A_203 = tpu.memref_squeeze %dma_wait3A_202 : memref<1x128x128xf32, #tpu.memory_space<vmem>> -> memref<128x128xf32, #tpu.memory_space<vmem>>
    %dma_wait3A_204 = arith.constant 0 : i32
    %dma_wait3A_205 = arith.constant 0 : i32
    %dma_wait3A_206 = tpu.memref_slice %arg4[%add3A, %dma_wait3A_199, %dma_wait3A_204, %dma_wait3A_205] : memref<32x4x128x128xf32, #tpu.memory_space<hbm>> -> memref<1x1x128x128xf32, #tpu.memory_space<hbm>>
    %dma_wait3A_207 = tpu.memref_squeeze %dma_wait3A_206 : memref<1x1x128x128xf32, #tpu.memory_space<hbm>> -> memref<128x128xf32, #tpu.memory_space<hbm>>
    %dma_wait3A_208 = arith.constant 0 : i32
    %dma_wait3A_209 = arith.constant 0 : i32
    %dma_wait3A_210 = tpu.memref_slice %arg4[%add3A, %dma_wait3A_199, %dma_wait3A_208, %dma_wait3A_209] : memref<32x4x128x128xf32, #tpu.memory_space<hbm>> -> memref<1x1x128x128xf32, #tpu.memory_space<hbm>>
    %dma_wait3A_211 = tpu.memref_squeeze %dma_wait3A_210 : memref<1x1x128x128xf32, #tpu.memory_space<hbm>> -> memref<128x128xf32, #tpu.memory_space<hbm>>
    %dma_wait3A_212 = arith.constant 0 : i32
    %dma_wait3A_213 = arith.constant 0 : i32
    %dma_wait3A_214 = tpu.memref_slice %arg6[%dma_wait3A_198, %dma_wait3A_212, %dma_wait3A_213] : memref<4x128x128xf32, #tpu.memory_space<vmem>> -> memref<1x128x128xf32, #tpu.memory_space<vmem>>
    %dma_wait3A_215 = tpu.memref_squeeze %dma_wait3A_214 : memref<1x128x128xf32, #tpu.memory_space<vmem>> -> memref<128x128xf32, #tpu.memory_space<vmem>>
    tpu.wait_dma2 semaphore(%arg9 : memref<!tpu.dma_semaphore, #tpu.memory_space<semaphore_mem>>) src(%dma_wait3A_215 : memref<128x128xf32, #tpu.memory_space<vmem>>) dst(%dma_wait3A_211 : memref<128x128xf32, #tpu.memory_space<hbm>>)
    %dma_wait3A_216 = arith.constant 1 : i32
    %dma_wait3A_217 = arith.constant 1 : i32
    %dma_wait3A_218 = arith.constant 0 : i32
    %dma_wait3A_219 = arith.constant 0 : i32
    %dma_wait3A_220 = tpu.memref_slice %arg6[%dma_wait3A_216, %dma_wait3A_218, %dma_wait3A_219] : memref<4x128x128xf32, #tpu.memory_space<vmem>> -> memref<1x128x128xf32, #tpu.memory_space<vmem>>
    %dma_wait3A_221 = tpu.memref_squeeze %dma_wait3A_220 : memref<1x128x128xf32, #tpu.memory_space<vmem>> -> memref<128x128xf32, #tpu.memory_space<vmem>>
    %dma_wait3A_222 = arith.constant 0 : i32
    %dma_wait3A_223 = arith.constant 0 : i32
    %dma_wait3A_224 = tpu.memref_slice %arg4[%add3A, %dma_wait3A_217, %dma_wait3A_222, %dma_wait3A_223] : memref<32x4x128x128xf32, #tpu.memory_space<hbm>> -> memref<1x1x128x128xf32, #tpu.memory_space<hbm>>
    %dma_wait3A_225 = tpu.memref_squeeze %dma_wait3A_224 : memref<1x1x128x128xf32, #tpu.memory_space<hbm>> -> memref<128x128xf32, #tpu.memory_space<hbm>>
    %dma_wait3A_226 = arith.constant 0 : i32
    %dma_wait3A_227 = arith.constant 0 : i32
    %dma_wait3A_228 = tpu.memref_slice %arg4[%add3A, %dma_wait3A_217, %dma_wait3A_226, %dma_wait3A_227] : memref<32x4x128x128xf32, #tpu.memory_space<hbm>> -> memref<1x1x128x128xf32, #tpu.memory_space<hbm>>
    %dma_wait3A_229 = tpu.memref_squeeze %dma_wait3A_228 : memref<1x1x128x128xf32, #tpu.memory_space<hbm>> -> memref<128x128xf32, #tpu.memory_space<hbm>>
    %dma_wait3A_230 = arith.constant 0 : i32
    %dma_wait3A_231 = arith.constant 0 : i32
    %dma_wait3A_232 = tpu.memref_slice %arg6[%dma_wait3A_216, %dma_wait3A_230, %dma_wait3A_231] : memref<4x128x128xf32, #tpu.memory_space<vmem>> -> memref<1x128x128xf32, #tpu.memory_space<vmem>>
    %dma_wait3A_233 = tpu.memref_squeeze %dma_wait3A_232 : memref<1x128x128xf32, #tpu.memory_space<vmem>> -> memref<128x128xf32, #tpu.memory_space<vmem>>
    tpu.wait_dma2 semaphore(%arg9 : memref<!tpu.dma_semaphore, #tpu.memory_space<semaphore_mem>>) src(%dma_wait3A_233 : memref<128x128xf32, #tpu.memory_space<vmem>>) dst(%dma_wait3A_229 : memref<128x128xf32, #tpu.memory_space<hbm>>)
    %dma_wait3A_234 = arith.constant 2 : i32
    %dma_wait3A_235 = arith.constant 2 : i32
    %dma_wait3A_236 = arith.constant 0 : i32
    %dma_wait3A_237 = arith.constant 0 : i32
    %dma_wait3A_238 = tpu.memref_slice %arg6[%dma_wait3A_234, %dma_wait3A_236, %dma_wait3A_237] : memref<4x128x128xf32, #tpu.memory_space<vmem>> -> memref<1x128x128xf32, #tpu.memory_space<vmem>>
    %dma_wait3A_239 = tpu.memref_squeeze %dma_wait3A_238 : memref<1x128x128xf32, #tpu.memory_space<vmem>> -> memref<128x128xf32, #tpu.memory_space<vmem>>
    %dma_wait3A_240 = arith.constant 0 : i32
    %dma_wait3A_241 = arith.constant 0 : i32
    %dma_wait3A_242 = tpu.memref_slice %arg4[%add3A, %dma_wait3A_235, %dma_wait3A_240, %dma_wait3A_241] : memref<32x4x128x128xf32, #tpu.memory_space<hbm>> -> memref<1x1x128x128xf32, #tpu.memory_space<hbm>>
    %dma_wait3A_243 = tpu.memref_squeeze %dma_wait3A_242 : memref<1x1x128x128xf32, #tpu.memory_space<hbm>> -> memref<128x128xf32, #tpu.memory_space<hbm>>
    %dma_wait3A_244 = arith.constant 0 : i32
    %dma_wait3A_245 = arith.constant 0 : i32
    %dma_wait3A_246 = tpu.memref_slice %arg4[%add3A, %dma_wait3A_235, %dma_wait3A_244, %dma_wait3A_245] : memref<32x4x128x128xf32, #tpu.memory_space<hbm>> -> memref<1x1x128x128xf32, #tpu.memory_space<hbm>>
    %dma_wait3A_247 = tpu.memref_squeeze %dma_wait3A_246 : memref<1x1x128x128xf32, #tpu.memory_space<hbm>> -> memref<128x128xf32, #tpu.memory_space<hbm>>
    %dma_wait3A_248 = arith.constant 0 : i32
    %dma_wait3A_249 = arith.constant 0 : i32
    %dma_wait3A_250 = tpu.memref_slice %arg6[%dma_wait3A_234, %dma_wait3A_248, %dma_wait3A_249] : memref<4x128x128xf32, #tpu.memory_space<vmem>> -> memref<1x128x128xf32, #tpu.memory_space<vmem>>
    %dma_wait3A_251 = tpu.memref_squeeze %dma_wait3A_250 : memref<1x128x128xf32, #tpu.memory_space<vmem>> -> memref<128x128xf32, #tpu.memory_space<vmem>>
    tpu.wait_dma2 semaphore(%arg9 : memref<!tpu.dma_semaphore, #tpu.memory_space<semaphore_mem>>) src(%dma_wait3A_251 : memref<128x128xf32, #tpu.memory_space<vmem>>) dst(%dma_wait3A_247 : memref<128x128xf32, #tpu.memory_space<hbm>>)
    %dma_wait3A_252 = arith.constant 3 : i32
    %dma_wait3A_253 = arith.constant 3 : i32
    %dma_wait3A_254 = arith.constant 0 : i32
    %dma_wait3A_255 = arith.constant 0 : i32
    %dma_wait3A_256 = tpu.memref_slice %arg6[%dma_wait3A_252, %dma_wait3A_254, %dma_wait3A_255] : memref<4x128x128xf32, #tpu.memory_space<vmem>> -> memref<1x128x128xf32, #tpu.memory_space<vmem>>
    %dma_wait3A_257 = tpu.memref_squeeze %dma_wait3A_256 : memref<1x128x128xf32, #tpu.memory_space<vmem>> -> memref<128x128xf32, #tpu.memory_space<vmem>>
    %dma_wait3A_258 = arith.constant 0 : i32
    %dma_wait3A_259 = arith.constant 0 : i32
    %dma_wait3A_260 = tpu.memref_slice %arg4[%add3A, %dma_wait3A_253, %dma_wait3A_258, %dma_wait3A_259] : memref<32x4x128x128xf32, #tpu.memory_space<hbm>> -> memref<1x1x128x128xf32, #tpu.memory_space<hbm>>
    %dma_wait3A_261 = tpu.memref_squeeze %dma_wait3A_260 : memref<1x1x128x128xf32, #tpu.memory_space<hbm>> -> memref<128x128xf32, #tpu.memory_space<hbm>>
    %dma_wait3A_262 = arith.constant 0 : i32
    %dma_wait3A_263 = arith.constant 0 : i32
    %dma_wait3A_264 = tpu.memref_slice %arg4[%add3A, %dma_wait3A_253, %dma_wait3A_262, %dma_wait3A_263] : memref<32x4x128x128xf32, #tpu.memory_space<hbm>> -> memref<1x1x128x128xf32, #tpu.memory_space<hbm>>
    %dma_wait3A_265 = tpu.memref_squeeze %dma_wait3A_264 : memref<1x1x128x128xf32, #tpu.memory_space<hbm>> -> memref<128x128xf32, #tpu.memory_space<hbm>>
    %dma_wait3A_266 = arith.constant 0 : i32
    %dma_wait3A_267 = arith.constant 0 : i32
    %dma_wait3A_268 = tpu.memref_slice %arg6[%dma_wait3A_252, %dma_wait3A_266, %dma_wait3A_267] : memref<4x128x128xf32, #tpu.memory_space<vmem>> -> memref<1x128x128xf32, #tpu.memory_space<vmem>>
    %dma_wait3A_269 = tpu.memref_squeeze %dma_wait3A_268 : memref<1x128x128xf32, #tpu.memory_space<vmem>> -> memref<128x128xf32, #tpu.memory_space<vmem>>
    tpu.wait_dma2 semaphore(%arg9 : memref<!tpu.dma_semaphore, #tpu.memory_space<semaphore_mem>>) src(%dma_wait3A_269 : memref<128x128xf32, #tpu.memory_space<vmem>>) dst(%dma_wait3A_265 : memref<128x128xf32, #tpu.memory_space<hbm>>)
    return
  }
}

</mosaic_0001>

<sc_bundles>
// kernel: kernel.3.cloned.1.call-start
scs
__scs_entry_jumppad:
0x0: {  	(pc) =	sbr.rel $0x88, $3  }
0x1: {  	(tag) =	ssettag $0x0;
	lr =	simm.s32 $0x1  }
0x2: {  	[smem:$0x3F9F] =	sst lr;
	_ =	strace $0xD0000000  }
0x3: {  	_ = 	snop  }
0x4: {  	_ = 	snop  }
0x5: {  	_ = 	snop  }
0x6: {  	_ = 	snop  }
0x7: {  	_ = 	snop  }
__scs_overlays_trampoline_lowered:
0x8: {  	[smem:$0x3FAE] =	sst s0  }
0x9: {  	[smem:$0x3FAF] =	sst s1  }
0xa: {  	[smem:$0x3FB0] =	sst s2  }
0xb: {  	[smem:$0x3FB1] =	sst s3  }
0xc: {  	[smem:$0x3FB2] =	sst s4  }
0xd: {  	[smem:$0x3FB3] =	sst s5  }
0xe: {  	[smem:$0x3FB4] =	sst s6  }
0xf: {  	[smem:$0x3FB5] =	sst s7  }
0x10: {  	[smem:$0x3FB6] =	sst s8  }
0x11: {  	[smem:$0x3FB7] =	sst s9;
	s0 =	simm.s32 @!p0 $0x0  }
0x12: {  	s1 =	sld [smem:$0x3F9D];
	s0 =	simm.s32 @p0 $0x1  }
0x13: {  	[smem:$0x3FB8] =	sst s0;
	s0 =	simm.s32 @!p1 $0x0  }
0x14: {  	s2 =	sld [smem:$0x3F9C];
	s0 =	simm.s32 @p1 $0x1  }
0x15: {  	[smem:$0x3FB9] =	sst s0;
	s0 =	simm.s32 @!p2 $0x0  }
0x16: {  	s3 =	sld [smem:$0x3FDB];
	s0 =	simm.s32 @p2 $0x1  }
0x17: {  	s4 =	simm.s32 $0x1BF5;
	[smem:$0x3FBB] =	sst s0  }
0x18: {  	s0 =	sld [smem:$0x3F9E];
	_ =	swait.ge [sflag:s4], $0x0  }
0x19: {  	s7 =	sld [smem:$0x3F9F]  }
0x1a: {  	s8 =	sadd.s32 $0xFFFFE003, lr  }
0x1b: {  	s9 =	sadd.s32 $0xFFFFFEF7, lr;
	s5 =	simm.s32 $0xFFFFFFFF;
	p2 =	slt.u32 s8, $0xFFFFF086  }
0x1c: {  	p1 =	slt.u32 s9, $0xF7A;
	s5 =	simm.s32 @!p2 $0x0  }
0x1d: {  	s5 =	simm.s32 @p1 $0x1;
	p0 =	seq.s32 s7, s2  }
0x1e: {  	s7 =	smul.u32 @!p0 $0xF7A, s2;
	p2 =	seq.s32 @!p0 s5, $0x0  }
0x1f: {  	s9 =	smul.u32 $0xF7A, s1;
	s8 =	simm.s32 @!p0 $0x1BF5;
	p2 =	por !p2, p0  }
0x20: {  	[sflag:s8] =	ssyncset.s32 @!p0 $0xFFFFF086;
	s6 =	sadd.s32 @!p0 s3, s7;
	s7 =	simm.s32 @!p0 $0x108  }
0x21: {  	s3 =	sadd.s32 s3, s9;
	s6 =	sadd.s32 @!p0 $0x88, s6;
	s7 =	simm.s32 @p2 $0x1082  }
0x22: {  	[simem:s7], [sflag:s8] =	dma.local @!p0 [hbm:s6], $0xF7A  }
0x23: {  	s9 =	sor.u32 $0xD0000000, s2;
	s6 =	simm.s32 $0x108;
	_ =	swait.ge @!p0 [sflag:s8], $0x0  }
0x24: {  	s3 =	sadd.s32 $0x88, s3;
	s6 =	simm.s32 @!p1 $0x1082;
	[sflag:s4] =	ssyncset.s32 $0xFFFFF086  }
0x25: {  	[simem:s6], [sflag:s4] =	dma.local [hbm:s3], $0xF7A  }
0x26: {  	[smem:$0x3F9F] =	sst s1;
	(tag) =	ssettag s2;
	_ =	strace s9  }
0x27: {  	s1 =	sld [smem:$0x3FAF]  }
0x28: {  	s2 =	sld [smem:$0x3FB0]  }
0x29: {  	s4 =	sld [smem:$0x3FB2]  }
0x2a: {  	p0 =	seq.s32 s5, $0x0;
	s5 =	sld [smem:$0x3FB3]  }
0x2b: {  	s6 =	sld [smem:$0x3FB4]  }
0x2c: {  	s7 =	sld [smem:$0x3FB5]  }
0x2d: {  	s3 =	simm.s32 $0x108;
	s8 =	sld [smem:$0x3FB6]  }
0x2e: {  	s3 =	simm.s32 @!p0 $0x1082;
	s9 =	sld [smem:$0x3FB7]  }
0x2f: {  	lr =	sadd.s32 s0, s3;
	s0 =	sld [smem:$0x3FAE]  }
0x30: {  	s3 =	sld [smem:$0x3FB1]  }
0x31: {  	[smem:$0x3FBA] =	sst s10  }
0x32: {  	s10 =	sld [smem:$0x3FB8];
	_ =	sdelay $0x3  }
0x33: {  	p0 =	seq.s32 s10, $0x1;
	s10 =	sld [smem:$0x3FBA];
	_ =	sdelay $0x3  }
0x34: {  	[smem:$0x3FBA] =	sst s10  }
0x35: {  	s10 =	sld [smem:$0x3FB9];
	_ =	sdelay $0x3  }
0x36: {  	p1 =	seq.s32 s10, $0x1;
	s10 =	sld [smem:$0x3FBA];
	_ =	sdelay $0x3  }
0x37: {  	[smem:$0x3FBA] =	sst s10  }
0x38: {  	s10 =	sld [smem:$0x3FBB]  }
0x39: {  	_ = 	snop;
	(pc) =	sbr.ind lr, $3  }
0x3a: {  	_ = 	snop  }
0x3b: {  	_ = 	snop  }
0x3c: {  	p2 =	seq.s32 s10, $0x1;
	s10 =	sld [smem:$0x3FBA]  }
0x3d: {  	_ =	shalt  }
0x3e: {  	_ =	shalt  }
0x3f: {  	_ =	shalt  }
0x40: {  	_ =	shalt  }
0x41: {  	_ =	shalt  }
0x42: {  	_ =	shalt  }
0x43: {  	_ =	shalt  }
0x44: {  	_ =	shalt  }
0x45: {  	_ =	shalt  }
0x46: {  	_ =	shalt  }
0x47: {  	_ =	shalt  }
0x48: {  	_ =	shalt  }
0x49: {  	_ =	shalt  }
0x4a: {  	_ =	shalt  }
0x4b: {  	_ =	shalt  }
0x4c: {  	_ =	shalt  }
0x4d: {  	_ =	shalt  }
0x4e: {  	_ =	shalt  }
0x4f: {  	_ =	shalt  }
0x50: {  	_ =	shalt  }
0x51: {  	_ =	shalt  }
0x52: {  	_ =	shalt  }
0x53: {  	_ =	shalt  }
0x54: {  	_ =	shalt  }
0x55: {  	_ =	shalt  }
0x56: {  	_ =	shalt  }
0x57: {  	_ =	shalt  }
0x58: {  	_ =	shalt  }
0x59: {  	_ =	shalt  }
0x5a: {  	_ =	shalt  }
0x5b: {  	_ =	shalt  }
0x5c: {  	_ =	shalt  }
0x5d: {  	_ =	shalt  }
0x5e: {  	_ =	shalt  }
0x5f: {  	_ =	shalt  }
0x60: {  	_ =	shalt  }
0x61: {  	_ =	shalt  }
0x62: {  	_ =	shalt  }
0x63: {  	_ =	shalt  }
0x64: {  	_ =	shalt  }
0x65: {  	_ =	shalt  }
0x66: {  	_ =	shalt  }
0x67: {  	_ =	shalt  }
0x68: {  	_ =	shalt  }
0x69: {  	_ =	shalt  }
0x6a: {  	_ =	shalt  }
0x6b: {  	_ =	shalt  }
0x6c: {  	_ =	shalt  }
0x6d: {  	_ =	shalt  }
0x6e: {  	_ =	shalt  }
0x6f: {  	_ =	shalt  }
0x70: {  	_ =	shalt  }
0x71: {  	_ =	shalt  }
0x72: {  	_ =	shalt  }
0x73: {  	_ =	shalt  }
0x74: {  	_ =	shalt  }
0x75: {  	_ =	shalt  }
0x76: {  	_ =	shalt  }
0x77: {  	_ =	shalt  }
0x78: {  	_ =	shalt  }
0x79: {  	_ =	shalt  }
0x7a: {  	_ =	shalt  }
0x7b: {  	_ =	shalt  }
0x7c: {  	_ =	shalt  }
0x7d: {  	_ =	shalt  }
0x7e: {  	_ =	shalt  }
0x7f: {  	_ =	shalt  }
0x80: {  	_ =	shalt  }
0x81: {  	_ =	shalt  }
0x82: {  	_ =	shalt  }
0x83: {  	_ =	shalt  }
0x84: {  	_ =	shalt  }
0x85: {  	_ =	shalt  }
0x86: {  	_ =	shalt  }
0x87: {  	_ =	shalt  }
.Lfunc_end0:
.L_simem_size_0:
called_computation_lowered:
.L_overlay_start_0:
0x88: {  	s2 =	sld [smem:$0x3FD9]  }
0x89: {  	s3 =	sld [smem:$0x3FFE];
	_ =	sdelay $0x1  }
0x8a: {  	s1 =	srdreg.scid  }
0x8b: {  	s0 =	sand.u32 $0x1, s1  }
0x8c: {  	s18 =	sshll.u32 s0, $0xA;
	s2 =	sadd.s32 s3, s2  }
0x8d: {  	s2 =	sadd.s32 s2, s18  }
0x8e: {  	[smem:$0x3FC6] =	sst s2  }
0x8f: {  	_ = 	snop  }
0x90: {  	s2 =	sld [smem:$0x3FC9]  }
0x91: {  	s19 =	sld [smem:$0x3FC8]  }
0x92: {  	s4 =	sld [smem:$0x3FD0];
	(tm) =	ssettm $0x1  }
0x93: {  	s5 =	sld [smem:$0x3FFB];
	_ =	sdelay $0x3  }
0x94: {  	_ =	strace s5  }
0x95: {  	s5 =	sld [smem:$0x3FFC];
	_ =	sdelay $0x3  }
0x96: {  	_ =	strace s5  }
0x97: {  	s5 =	sld [smem:$0x3FFD];
	_ =	sdelay $0x3  }
0x98: {  	_ =	strace s5  }
0x99: {  	_ =	strace $0x8FFFFFFF  }
0x9a: {  	s20 =	sld [smem:$0x3FDB];
	_ =	sdelay $0x1  }
0x9b: {  	s6 =	simm.s32 $_scs_section_size  }
0x9c: {  	s7 =	simm.s32 $_size__tile_overlayer_lowered;
	s8 =	simm.s32 $_tile_overlayer_lowered  }
0x9d: {  	s23 =	simm.s32 $0x1BFF;
	s22 =	sshll.u32 s8, $0x1;
	s5 =	sadd.s32 s6, s20  }
0x9e: {  	s9 =	simm.s32 $0x0;
	s21 =	sshll.u32 s7, $0x1;
	s7 =	sadd.s32 s22, s5  }
0x9f: {  	[timem:s9], [sflag:s23] =	dma.local [hbm:s7], s21  }
0xa0: {  	_ =	swait.ge [sflag:s23], s21  }
0xa1: {  	s6 =	ssub.s32 $0x0, s21;
	[sflag:s23] =	ssyncset.done $0x0  }
0xa2: {  	[sflag:s23] =	ssyncadd.s32 s6;
	_ =	sdelay $0x1  }
0xa3: {  	s24 =	simm.s32 $0x1B8B  }
0xa4: {  	_ =	swait.ge [sflag:s24], $0x1  }
0xa5: {  	[sflag:s24] =	ssyncset.done $0x0  }
0xa6: {  	s25 =	simm.s32 $0x1B8E;
	[sflag:s24] =	ssyncadd.s32 $0xFFFFFFFF  }
0xa7: {  	s26 =	simm.s32 $execute0_lowered;
	[smem:$0x3FD2] =	sst s25  }
0xa8: {  	s6 =	sshll.u32 s26, $0x1;
	_ =	strace $0x80000046;
	[dreg:$0x1] =	wrdreg $0xFFFFFFFF  }
0xa9: {  	s28 =	simm.s32 $_size_execute0_lowered;
	s5 =	sadd.s32 s5, s6;
	[dreg:$0x0] =	wrdreg $0x0  }
0xaa: {  	s6 =	sshll.u32 s28, $0x1;
	[dreg:$0x2] =	wrdreg s5  }
0xab: {  	[dreg:$0x3] =	wrdreg s6  }
0xac: {  	[dreg:$0x4] =	wrdreg $0xC0  }
0xad: {  	_ =	task [dreg:s9], $0x5FFFF  }
0xae: {  	[dreg:$0x1] =	wrdreg $0xFFFFFFFF  }
0xaf: {  	[dreg:$0x0] =	wrdreg $0x60  }
0xb0: {  	[dreg:$0x2] =	wrdreg s2  }
0xb1: {  	[dreg:$0x3] =	wrdreg s19  }
0xb2: {  	[dreg:$0x4] =	wrdreg s4  }
0xb3: {  	[dreg:$0x5] =	wrdreg $0x102000  }
0xb4: {  	[dreg:$0x6] =	wrdreg $0x9  }
0xb5: {  	_ =	task.clear_ibuf [dreg:s9], $0x7FFFF;
	_ =	strace $0x90000046  }
0xb6: {  	s29 =	simm.s32 $0x9;
	_ =	strace $0x80000048  }
0xb7: {  	_ =	swait.ge [sflag:s29], $0x1  }
0xb8: {  	[sflag:s29] =	ssyncadd.s32 $0xFFFFFFFF  }
0xb9: {  	_ =	strace $0x90000048  }
0xba: {  	_ =	sfence  }
0xbb: {  	s30 =	sld [smem:$0x0];
	_ =	sdelay $0x2  }
0xbc: {  	s31 =	sshll.u32 s1, $0xD;
	s1 =	sshrl.u32 s1, $0x2  }
0xbd: {  	s3 =	sand.u32 $0x4000, s31;
	s1 =	sadd.s32 s1, s30  }
0xbe: {  	s0 =	sor.u32 s3, s0;
	s1 =	sshll.u32 s1, $0x11  }
0xbf: {  	s0 =	sor.u32 s1, s0  }
0xc0: {  	s0 =	sadd.s32 $0x8F2B, s0  }
0xc1: {  	[sflag:s0] =	ssyncadd.remote.s32 $0x1  }
0xc2: {  	_ =	sfence.sel $0xFFFF  }
0xc3: {  	[dreg:$0x0] =	wrdreg $0xFFFFFFFF;
	(pc) =	sbr.abs _section_cstart, $3  }
0xc4: {  	[dreg:$0x1] =	wrdreg $0xFFFFFFFF  }
0xc5: {  	_ =	task.clear_ibuf [dreg:s9], $0x2FFFF;
	_ =	strace $0x9FFFFFFF  }
0xc6: {  	(tm) =	ssettm $0x7FFFFFFF  }
0xc7: {  	_ =	shalt  }
tec
execute0_lowered:
.L_overlay_start_1:
0x0: {  	(tag) =	ssettag $0x1  }
0x1: {  	s3 =	rddreg [dreg:$0x0]  }
0x2: {  	s7 =	rddreg [dreg:$0x1]  }
0x3: {  	s4 =	rddreg [dreg:$0x2]  }
0x4: {  	s2 =	rddreg [dreg:$0x3]  }
0x5: {  	s0 =	rddreg [dreg:$0x4];
	s5 =	srdreg.scid  }
0x6: {  	s1 =	simm.s32 $0x0;
	s9 =	stileid.u32;
	s5 =	sand.u32 $0x1, s5  }
0x7: {  	s15 =	simm.s32 $0x80;
	s12 =	simm.s32 $0x200;
	s8 =	ssub.s32 $0x2, s5  }
0x8: {  	s18 =	simm.s32 $0x100;
	s20 =	simm.s32 $0x180;
	s30 =	sshrl.u32 s8, $0x1  }
0x9: {  	s19 =	simm.s32 $0x1;
	s16 =	simm.s32 $0x2;
	s11 =	ssub.s32 s8, s30  }
0xa: {  	s14 =	simm.s32 $0x3;
	s13 =	simm.s32 $0x4;
	s31 =	smax.u32 s11, $0x1  }
0xb: {  	p1 =	por $0x0, $0x0;
	[smem:$0x7FF] =	sst s1;
	s29 =	sadd.s32 $0xFFFFFFFF, s31  }
0xc: {  	s6 =	sshll.u32 s9, $0x1;
	p0 =	sne.s32 s9, $0x0;
	p2 =	sne.s32 s29, $0x0  }
.Ltmp0:
0xd: {  	s9 =	simm.s32 $0xC200;
	s5 =	sor.u32 s5, s6;
	(pc) =	sbr.rel @!p2 .LBB2_3-.Ltmp0, $4  }
0xe: {  	_ =	strace $0x80000047;
	s10 =	sshll.u32 s5, $0x6;
	s5 =	sshll.u32 s5, $0xD  }
0xf: {  	s21 =	sshrl.u32 @!p0 s2, $0x3;
	s17 =	sadd.s32 s3, s10;
	s8 =	sadd.s32 s4, s5  }
0x10: {  	s10 =	simm.s32 $0x8200;
	s5 =	simm.s32 $0x5;
	s6 =	sadd.s32 $0x800, s8  }
0x11: {  	s4 =	sadd.s32 $0x1000, s8;
	s3 =	sadd.s32 $0x1800, s8;
	s11 =	simm.s32 $0x4200  }
0x12: {  	s22 =	simm.s32 @p0 $0x0;
	s23 =	simm.s32 @p0 $0x7  }
0x13: {  	[tilespmem:s22], [sflag:$0x7] =	stream.linear.gather @p0 [hbm4b:s17+s22], $0x200, $0x38;
	[tilespmem:$0x12140] =	vst v63  }
0x14: {  	_ =	swait.ge @p0 [sflag:s23], $0x200  }
0x15: {  	s24 =	simm.s32 @!p0 $0x7;
	[sflag:s23] =	ssyncset.done @p0 $0x0  }
0x16: {  	s25 =	simm.s32 @!p0 $0x1C06;
	s26 =	simm.s32 @!p0 $0x0;
	[sflag:s23] =	ssyncadd.s32 @p0 $0xFFFFFE00  }
0x17: {  	[spmem:s21], [sflag:s25] =	dma.local @!p0 [hbm:s7], $0x3E80  }
0x18: {  	[tilespmem:s26], [sflag:$0x7] =	stream.linear.gather @!p0 [hbm4b:s17+s26], $0x200, $0x38;
	[tilespmem:$0x12140] =	vst v63  }
0x19: {  	_ =	swait.ge @!p0 [sflag:s24], $0x200  }
0x1a: {  	[sflag:s24] =	ssyncset.done @!p0 $0x0  }
0x1b: {  	s28 =	simm.s32 @!p0 $0x6;
	[sflag:s24] =	ssyncadd.s32 @!p0 $0xFFFFFE00  }
0x1c: {  	_ =	swait.ge @!p0 [sflag:s28], $0x3E80  }
0x1d: {  	[sflag:s28] =	ssyncset.done @!p0 $0x0  }
0x1e: {  	[sflag:s28] =	ssyncadd.s32 @!p0 $0xFFFFC180  }
0x1f: {  	[bflag:$0x0] =	sbarrier.arrive $0xFFFF  }
0x20: {  	[tilespmem:s12], [sflag:$0x1] =	stream.indirect.gather [spmem:s2], $0x80, s1, s15, $0xb8;
	[tilespmem:$0x12140] =	vst v63  }
0x21: {  	_ = 	snop  }
0x22: {  	[tilespmem:s11], [sflag:$0x2] =	stream.indirect.gather [spmem:s2], $0x80, s15, s15, $0xb8;
	[tilespmem:$0x12140] =	vst v63  }
0x23: {  	_ = 	snop  }
0x24: {  	[tilespmem:s10], [sflag:$0x3] =	stream.indirect.gather [spmem:s2], $0x80, s18, s15, $0xb8;
	[tilespmem:$0x12140] =	vst v63  }
0x25: {  	_ = 	snop  }
0x26: {  	[tilespmem:s9], [sflag:$0x4] =	stream.indirect.gather [spmem:s2], $0x80, s20, s15, $0xb8;
	[tilespmem:$0x12140] =	vst v63  }
0x27: {  	_ =	swait.ge [sflag:s19], $0x4000  }
0x28: {  	[sflag:s19] =	ssyncset.done $0x0  }
0x29: {  	[sflag:s19] =	ssyncadd.s32 $0xFFFFC000  }
0x2a: {  	[hbm4b:s8+s1] =	stream.linear.scatter [tilespmem:s12], [sflag:$0x5], $0x4000, $0x38;
	[tilespmem:$0x12140] =	vst v63  }
0x2b: {  	_ =	swait.ge [sflag:s16], $0x4000  }
0x2c: {  	[sflag:s16] =	ssyncset.done $0x0  }
0x2d: {  	[sflag:s16] =	ssyncadd.s32 $0xFFFFC000  }
0x2e: {  	[hbm4b:s6+s1] =	stream.linear.scatter [tilespmem:s11], [sflag:$0x5], $0x4000, $0x38;
	[tilespmem:$0x12140] =	vst v63  }
0x2f: {  	_ =	swait.ge [sflag:s14], $0x4000  }
0x30: {  	[sflag:s14] =	ssyncset.done $0x0  }
0x31: {  	[sflag:s14] =	ssyncadd.s32 $0xFFFFC000  }
0x32: {  	[hbm4b:s4+s1] =	stream.linear.scatter [tilespmem:s10], [sflag:$0x5], $0x4000, $0x38;
	[tilespmem:$0x12140] =	vst v63  }
0x33: {  	_ =	swait.ge [sflag:s13], $0x4000  }
0x34: {  	[sflag:s13] =	ssyncset.done $0x0  }
0x35: {  	[sflag:s13] =	ssyncadd.s32 $0xFFFFC000  }
0x36: {  	[hbm4b:s3+s1] =	stream.linear.scatter [tilespmem:s9], [sflag:$0x5], $0x4000, $0x38;
	[tilespmem:$0x12140] =	vst v63  }
0x37: {  	_ =	swait.ge [sflag:s5], $0x4000  }
0x38: {  	[sflag:s5] =	ssyncset.done $0x0  }
0x39: {  	[sflag:s5] =	ssyncadd.s32 $0xFFFFC000  }
0x3a: {  	_ =	swait.ge [sflag:s5], $0x4000  }
0x3b: {  	s29 =	sadd.s32 $0xFFFFFFFF, s29;
	[sflag:s5] =	ssyncset.done $0x0  }
0x3c: {  	p2 =	sne.s32 s29, $0x0;
	[sflag:s5] =	ssyncadd.s32 $0xFFFFC000  }
.Ltmp1:
0x3d: {  	_ =	swait.ge [sflag:s5], $0x4000;
	(pc) =	sbr.rel @!p2 .LBB2_3-.Ltmp1, $4  }
0x3e: {  	[sflag:s5] =	ssyncset.done $0x0  }
0x3f: {  	[sflag:s5] =	ssyncadd.s32 $0xFFFFC000  }
0x40: {  	_ =	swait.ge [sflag:s5], $0x4000  }
0x41: {  	p1 =	por $0x1, $0x1;
	[sflag:s5] =	ssyncset.done $0x0  }
.LBB2_2:
0x42: {  	[sflag:s5] =	ssyncadd.s32 $0xFFFFC000  }
0x43: {  	[tilespmem:s22], [sflag:$0x7] =	stream.linear.gather @p0 [hbm4b:s17+s22], $0x200, $0x38;
	[tilespmem:$0x12140] =	vst v63  }
0x44: {  	s29 =	sadd.s32 $0xFFFFFFFF, s29;
	_ =	swait.ge @p0 [sflag:s23], $0x200  }
0x45: {  	p2 =	sne.s32 s29, $0x0;
	[sflag:s23] =	ssyncset.done @p0 $0x0  }
0x46: {  	[sflag:s23] =	ssyncadd.s32 @p0 $0xFFFFFE00  }
0x47: {  	[spmem:s21], [sflag:s25] =	dma.local @!p0 [hbm:s7], $0x3E80  }
0x48: {  	[tilespmem:s26], [sflag:$0x7] =	stream.linear.gather @!p0 [hbm4b:s17+s26], $0x200, $0x38;
	[tilespmem:$0x12140] =	vst v63  }
0x49: {  	_ =	swait.ge @!p0 [sflag:s24], $0x200  }
0x4a: {  	[sflag:s24] =	ssyncset.done @!p0 $0x0  }
0x4b: {  	[sflag:s24] =	ssyncadd.s32 @!p0 $0xFFFFFE00  }
0x4c: {  	_ =	swait.ge @!p0 [sflag:s28], $0x3E80  }
0x4d: {  	[sflag:s28] =	ssyncset.done @!p0 $0x0  }
0x4e: {  	[sflag:s28] =	ssyncadd.s32 @!p0 $0xFFFFC180  }
0x4f: {  	[bflag:$0x0] =	sbarrier.arrive $0xFFFF  }
0x50: {  	[tilespmem:s12], [sflag:$0x1] =	stream.indirect.gather [spmem:s2], $0x80, s1, s15, $0xb8;
	[tilespmem:$0x12140] =	vst v63  }
0x51: {  	_ = 	snop  }
0x52: {  	[tilespmem:s11], [sflag:$0x2] =	stream.indirect.gather [spmem:s2], $0x80, s15, s15, $0xb8;
	[tilespmem:$0x12140] =	vst v63  }
0x53: {  	_ = 	snop  }
0x54: {  	[tilespmem:s10], [sflag:$0x3] =	stream.indirect.gather [spmem:s2], $0x80, s18, s15, $0xb8;
	[tilespmem:$0x12140] =	vst v63  }
0x55: {  	_ = 	snop  }
0x56: {  	[tilespmem:s9], [sflag:$0x4] =	stream.indirect.gather [spmem:s2], $0x80, s20, s15, $0xb8;
	[tilespmem:$0x12140] =	vst v63  }
0x57: {  	_ =	swait.ge [sflag:s19], $0x4000  }
0x58: {  	[sflag:s19] =	ssyncset.done $0x0  }
0x59: {  	[sflag:s19] =	ssyncadd.s32 $0xFFFFC000  }
0x5a: {  	[hbm4b:s8+s1] =	stream.linear.scatter [tilespmem:s12], [sflag:$0x5], $0x4000, $0x38;
	[tilespmem:$0x12140] =	vst v63  }
0x5b: {  	_ =	swait.ge [sflag:s16], $0x4000  }
0x5c: {  	[sflag:s16] =	ssyncset.done $0x0  }
0x5d: {  	[sflag:s16] =	ssyncadd.s32 $0xFFFFC000  }
0x5e: {  	[hbm4b:s6+s1] =	stream.linear.scatter [tilespmem:s11], [sflag:$0x5], $0x4000, $0x38;
	[tilespmem:$0x12140] =	vst v63  }
0x5f: {  	_ =	swait.ge [sflag:s14], $0x4000  }
0x60: {  	[sflag:s14] =	ssyncset.done $0x0  }
0x61: {  	[sflag:s14] =	ssyncadd.s32 $0xFFFFC000  }
0x62: {  	[hbm4b:s4+s1] =	stream.linear.scatter [tilespmem:s10], [sflag:$0x5], $0x4000, $0x38;
	[tilespmem:$0x12140] =	vst v63  }
0x63: {  	_ =	swait.ge [sflag:s13], $0x4000  }
0x64: {  	[sflag:s13] =	ssyncset.done $0x0  }
0x65: {  	[sflag:s13] =	ssyncadd.s32 $0xFFFFC000  }
0x66: {  	[hbm4b:s3+s1] =	stream.linear.scatter [tilespmem:s9], [sflag:$0x5], $0x4000, $0x38;
	[tilespmem:$0x12140] =	vst v63  }
0x67: {  	_ =	swait.ge [sflag:s5], $0x4000  }
0x68: {  	[sflag:s5] =	ssyncset.done $0x0  }
0x69: {  	[sflag:s5] =	ssyncadd.s32 $0xFFFFC000  }
0x6a: {  	_ =	swait.ge [sflag:s5], $0x4000  }
0x6b: {  	[sflag:s5] =	ssyncset.done $0x0  }
0x6c: {  	[sflag:s5] =	ssyncadd.s32 $0xFFFFC000  }
.Ltmp2:
0x6d: {  	_ =	swait.ge [sflag:s5], $0x4000;
	(pc) =	sbr.rel @p2 .LBB2_2-.Ltmp2, $4  }
0x6e: {  	[sflag:s5] =	ssyncset.done $0x0  }
0x6f: {  	[sflag:s5] =	ssyncadd.s32 $0xFFFFC000  }
0x70: {  	_ =	swait.ge [sflag:s5], $0x4000  }
0x71: {  	[sflag:s5] =	ssyncset.done $0x0  }
.LBB2_3:
0x72: {  	s22 =	simm.s32 @p0 $0x0;
	s23 =	simm.s32 @p0 $0x7;
	[sflag:s5] =	ssyncadd.s32 @p1 $0xFFFFC000  }
0x73: {  	[tilespmem:s22], [sflag:$0x7] =	stream.linear.gather @p0 [hbm4b:s17+s22], $0x200, $0x38;
	[tilespmem:$0x12140] =	vst v63  }
0x74: {  	_ =	swait.ge @p0 [sflag:s23], $0x200  }
0x75: {  	s24 =	simm.s32 @!p0 $0x0;
	[sflag:s23] =	ssyncset.done @p0 $0x0  }
0x76: {  	s22 =	simm.s32 @!p0 $0x7;
	[sflag:s23] =	ssyncadd.s32 @p0 $0xFFFFFE00;
	s23 =	simm.s32 @!p0 $0x1C06  }
0x77: {  	[spmem:s21], [sflag:s23] =	dma.local @!p0 [hbm:s7], $0x3E80  }
0x78: {  	[tilespmem:s24], [sflag:$0x7] =	stream.linear.gather @!p0 [hbm4b:s17+s24], $0x200, $0x38;
	[tilespmem:$0x12140] =	vst v63  }
0x79: {  	_ =	swait.ge @!p0 [sflag:s22], $0x200  }
0x7a: {  	[sflag:s22] =	ssyncset.done @!p0 $0x0  }
0x7b: {  	s7 =	simm.s32 @!p0 $0x6;
	[sflag:s22] =	ssyncadd.s32 @!p0 $0xFFFFFE00  }
0x7c: {  	_ =	swait.ge @!p0 [sflag:s7], $0x3E80  }
0x7d: {  	[sflag:s7] =	ssyncset.done @!p0 $0x0  }
0x7e: {  	[sflag:s7] =	ssyncadd.s32 @!p0 $0xFFFFC180  }
0x7f: {  	[bflag:$0x0] =	sbarrier.arrive $0xFFFF  }
0x80: {  	[tilespmem:s12], [sflag:$0x1] =	stream.indirect.gather [spmem:s2], $0x80, s1, s15, $0xb8;
	[tilespmem:$0x12140] =	vst v63  }
0x81: {  	_ = 	snop  }
0x82: {  	[tilespmem:s11], [sflag:$0x2] =	stream.indirect.gather [spmem:s2], $0x80, s15, s15, $0xb8;
	[tilespmem:$0x12140] =	vst v63  }
0x83: {  	_ = 	snop  }
0x84: {  	[tilespmem:s10], [sflag:$0x3] =	stream.indirect.gather [spmem:s2], $0x80, s18, s15, $0xb8;
	[tilespmem:$0x12140] =	vst v63  }
0x85: {  	_ = 	snop  }
0x86: {  	[tilespmem:s9], [sflag:$0x4] =	stream.indirect.gather [spmem:s2], $0x80, s20, s15, $0xb8;
	[tilespmem:$0x12140] =	vst v63  }
0x87: {  	_ =	swait.ge [sflag:s19], $0x4000  }
0x88: {  	[sflag:s19] =	ssyncset.done $0x0  }
0x89: {  	[sflag:s19] =	ssyncadd.s32 $0xFFFFC000  }
0x8a: {  	[hbm4b:s8+s1] =	stream.linear.scatter [tilespmem:s12], [sflag:$0x5], $0x4000, $0x38;
	[tilespmem:$0x12140] =	vst v63  }
0x8b: {  	_ =	swait.ge [sflag:s16], $0x4000  }
0x8c: {  	[sflag:s16] =	ssyncset.done $0x0  }
0x8d: {  	[sflag:s16] =	ssyncadd.s32 $0xFFFFC000  }
0x8e: {  	[hbm4b:s6+s1] =	stream.linear.scatter [tilespmem:s11], [sflag:$0x5], $0x4000, $0x38;
	[tilespmem:$0x12140] =	vst v63  }
0x8f: {  	_ =	swait.ge [sflag:s14], $0x4000  }
0x90: {  	[sflag:s14] =	ssyncset.done $0x0  }
0x91: {  	[sflag:s14] =	ssyncadd.s32 $0xFFFFC000  }
0x92: {  	[hbm4b:s4+s1] =	stream.linear.scatter [tilespmem:s10], [sflag:$0x5], $0x4000, $0x38;
	[tilespmem:$0x12140] =	vst v63  }
0x93: {  	_ =	swait.ge [sflag:s13], $0x4000  }
0x94: {  	[sflag:s13] =	ssyncset.done $0x0  }
0x95: {  	[sflag:s13] =	ssyncadd.s32 $0xFFFFC000  }
0x96: {  	[hbm4b:s3+s1] =	stream.linear.scatter [tilespmem:s9], [sflag:$0x5], $0x4000, $0x38;
	[tilespmem:$0x12140] =	vst v63  }
0x97: {  	_ =	swait.ge [sflag:s5], $0x4000  }
0x98: {  	[sflag:s5] =	ssyncset.done $0x0  }
0x99: {  	[sflag:s5] =	ssyncadd.s32 $0xFFFFC000  }
0x9a: {  	_ =	swait.ge [sflag:s5], $0x4000  }
0x9b: {  	[sflag:s5] =	ssyncset.done $0x0  }
0x9c: {  	[sflag:s5] =	ssyncadd.s32 $0xFFFFC000  }
0x9d: {  	_ =	swait.ge [sflag:s5], $0x4000  }
0x9e: {  	[sflag:s5] =	ssyncset.done $0x0  }
0x9f: {  	[sflag:s5] =	ssyncadd.s32 $0xFFFFC000  }
0xa0: {  	_ =	swait.ge [sflag:s5], $0x4000  }
0xa1: {  	[sflag:s5] =	ssyncset.done $0x0  }
0xa2: {  	[sflag:s5] =	ssyncadd.s32 $0xFFFFC000  }
0xa3: {  	_ =	sfence.sel $0x180000  }
0xa4: {  	[bflag:$0x0] =	sbarrier.arrive $0xFFFF  }
0xa5: {  	_ =	strace $0x90000047  }
0xa6: {  	s0 =	sadd.s32 @!p0 $0x100000, s0;
	[bflag:$0x2] =	sbarrier.arrive $0xFFFF  }
0xa7: {  	[sflag:s0] =	ssyncadd.tile.s32 @!p0 $0x1;
	_ =	shalt  }
.Lfunc_end2:
_tile_overlayer_lowered:
.L_overlay_start_2:
0xa8: {  	(tag) =	ssettag $0x2  }
0xa9: {  	s0 =	rddreg [dreg:$0x0];
	s2 =	stileid.u32  }
0xaa: {  	s1 =	rddreg [dreg:$0x1];
	p0 =	sne.s32 s2, $0x0  }
0xab: {  	s3 =	rddreg [dreg:$0x2];
	[bflag:$0x3] =	sbarrier.arrive $0xFFFF;
	s2 =	simm.s32 @!p0 $0x1C07  }
0xac: {  	[timem:s3], [sflag:s2] =	dma.local @!p0 [hbm:s0], s1  }
0xad: {  	s0 =	simm.s32 @!p0 $0x7  }
0xae: {  	_ =	swait.ge @!p0 [sflag:s0], s1  }
0xaf: {  	s1 =	ssub.s32 @!p0 $0x0, s1;
	[sflag:s0] =	ssyncset.done @!p0 $0x0  }
0xb0: {  	[sflag:s0] =	ssyncadd.s32 @!p0 s1  }
0xb1: {  	[bflag:$0x3] =	sbarrier.arrive $0xFFFF  }
0xb2: {  	_ =	shalt  }

</sc_bundles>
